<compile_context>
chip_gen: v7x
topology: tpu7x:2x2x1
jax: 0.10.2.dev20260603
libtpu: 0.0.44.dev20260713+nightly
codegen_flags: <defaults>
</compile_context>

<pallas_src>
import functools
import math

import jax
import jax.numpy as jnp
from jax import lax
from jax.experimental import pallas as pl
from jax.experimental.pallas import tpu as pltpu
from jax.experimental.pallas import tpu_sc as plsc

V = 100000
B = 1024
S_VAL = 0.1 / (V - 2)
C_VAL = 0.9
K_CONST = (V - 2) * S_VAL * math.log(S_VAL) + C_VAL * math.log(C_VAL)

RB = 32
NJ = B // RB

NC = 2
NS = 16
NW = NC * NS
BPW = B // NW
LANES = 16


def _tc_body(t_ref, x_ref, rs_ref, tv_ref):
    x = x_ref[...]
    t = t_ref[0, 0, :]
    cols = lax.broadcasted_iota(jnp.int32, (RB, V), 1)
    tv = jnp.sum(jnp.where(cols == t[:, None], x, 0.0), axis=1)
    rs = jnp.sum(x, axis=1) - x[:, 0]
    rs_ref[...] = rs[None, None, :]
    tv_ref[...] = tv[None, None, :]


def _tc_stream(output, target3):
    return pl.pallas_call(
        _tc_body,
        grid=(NJ,),
        in_specs=[pl.BlockSpec((1, 1, RB), lambda j: (j, 0, 0)),
                  pl.BlockSpec((RB, V), lambda j: (j, 0))],
        out_specs=[pl.BlockSpec((1, 1, RB), lambda j: (j, 0, 0)),
                   pl.BlockSpec((1, 1, RB), lambda j: (j, 0, 0))],
        out_shape=[jax.ShapeDtypeStruct((NJ, 1, RB), jnp.float32),
                   jax.ShapeDtypeStruct((NJ, 1, RB), jnp.float32)],
        compiler_params=pltpu.CompilerParams(
            dimension_semantics=("arbitrary",),
        ),
    )(target3, output)


def _sc_body(tgt_hbm, rsum_hbm, tval_hbm, out_hbm,
             tgt_v, rs_v, tv_v, acc_v, all_v, shared, sem):
    c = lax.axis_index("c")
    s = lax.axis_index("s")
    wid = s * NC + c
    base = wid * BPW

    pltpu.sync_copy(tgt_hbm.at[pl.ds(base, BPW)], tgt_v)
    pltpu.sync_copy(rsum_hbm.at[pl.ds(base, BPW)], rs_v)
    pltpu.sync_copy(tval_hbm.at[pl.ds(base, BPW)], tv_v)

    acc = jnp.zeros((LANES,), jnp.float32)
    for k in range(BPW // LANES):
        tvec = tgt_v[pl.ds(k * LANES, LANES)]
        rvec = rs_v[pl.ds(k * LANES, LANES)]
        tval = tv_v[pl.ds(k * LANES, LANES)]
        maskf = jnp.where(tvec != 0, 1.0, 0.0)
        acc = acc + maskf * (K_CONST - S_VAL * rvec + (S_VAL - C_VAL) * tval)
    acc_v[...] = acc

    pltpu.sync_copy(acc_v, shared.at[s])
    plsc.subcore_barrier()

    @pl.when(s == 0)
    def _reduce():
        pltpu.sync_copy(shared, all_v)
        tot = jnp.zeros((LANES,), jnp.float32)
        for i in range(NS):
            tot = tot + all_v[i]
        acc_v[...] = tot
        pltpu.sync_copy(acc_v, out_hbm.at[c])


@functools.lru_cache(maxsize=1)
def _sc_combine():
    return functools.partial(
        pl.kernel,
        mesh=plsc.VectorSubcoreMesh(core_axis_name="c", subcore_axis_name="s"),
        out_type=jax.ShapeDtypeStruct((NC, LANES), jnp.float32),
        compiler_params=pltpu.CompilerParams(use_tc_tiling_on_sc=False),
        scratch_types=[
            pltpu.VMEM((BPW,), jnp.int32),
            pltpu.VMEM((BPW,), jnp.float32),
            pltpu.VMEM((BPW,), jnp.float32),
            pltpu.VMEM((LANES,), jnp.float32),
            pltpu.VMEM((NS, LANES), jnp.float32),
            pltpu.VMEM_SHARED((NS, LANES), jnp.float32),
            pltpu.SemaphoreType.DMA,
        ],
    )(_sc_body)


def kernel(output, target, one_hot):
    del one_hot
    target3 = target.reshape(NJ, 1, RB)
    rowsums, tvals = _tc_stream(output, target3)
    parts = _sc_combine()(target, rowsums.reshape(B), tvals.reshape(B))
    return jnp.sum(parts)

# --- scband reference (transcript-rebuilt; emitter-appended) ---
"""Pipeline reference for scband-multi-task-loss-compute-52269751992983 (READ-ONLY COPY).

The authoritative reference and input builder live on the scoring server;
editing this copy changes nothing except your own understanding.
"""

import jax, jax.numpy as jnp
import numpy as np

V = 100000
B = 1024
LABEL_SMOOTHING = 0.1
PAD_IDX = 0
SMOOTHING_VALUE = LABEL_SMOOTHING / (V - 2)
CONFIDENCE = 1.0 - LABEL_SMOOTHING


def setup_inputs(seed: int = 0) -> dict:
    key = jax.random.key(seed)
    k1, k2 = jax.random.split(key)
    # output: model log-probabilities over the target vocab (batch_size x n_classes)
    output = jax.random.normal(k1, (B, V), dtype=jnp.float32)
    target = jax.random.randint(k2, (B,), 0, V, dtype=jnp.int32)
    # buffer: smoothed one-hot template, zero at padding index
    one_hot = jnp.full((V,), SMOOTHING_VALUE, dtype=jnp.float32).at[PAD_IDX].set(0.0)
    return {"output": output, "target": target, "one_hot": one_hot}


def reference(output, target, one_hot):
    # model_prob = one_hot.repeat(batch, 1)
    model_prob = jnp.broadcast_to(one_hot[None, :], (output.shape[0], one_hot.shape[0]))
    # model_prob.scatter_(1, target.unsqueeze(1), confidence)
    model_prob = model_prob.at[jnp.arange(output.shape[0]), target].set(CONFIDENCE)
    # model_prob.masked_fill_((target == padding_idx).unsqueeze(1), 0)
    pad_mask = (target == PAD_IDX)[:, None]
    model_prob = jnp.where(pad_mask, 0.0, model_prob)
    # F.kl_div(output, model_prob, reduction='sum'):
    #   pointwise target * (log(target) - input), with 0 where target == 0
    kl = jnp.where(model_prob > 0, model_prob * (jnp.log(jnp.where(model_prob > 0, model_prob, 1.0)) - output), 0.0)
    return jnp.sum(kl)

if __name__ == "__main__":
    import jax
    _d = setup_inputs()
    print(jax.jit(kernel)(*tuple(_d.values())))

</pallas_src>

<mosaic_0001>
#map = affine_map<(d0, d1) -> (0)>
#map1 = affine_map<(d0, d1) -> (0, 0)>
module attributes {stable_mosaic.version = 14 : i64} {
  func.func @_sc_body(%arg0: i32, %arg1: i32, %arg2: memref<1024xi32, #tpu.memory_space<hbm>>, %arg3: memref<1024xf32, #tpu.memory_space<hbm>>, %arg4: memref<1024xf32, #tpu.memory_space<hbm>>, %arg5: memref<2x16xf32, #tpu.memory_space<hbm>>, %arg6: memref<32xi32, #tpu.memory_space<vmem>>, %arg7: memref<32xf32, #tpu.memory_space<vmem>>, %arg8: memref<32xf32, #tpu.memory_space<vmem>>, %arg9: memref<16xf32, #tpu.memory_space<vmem>>, %arg10: memref<16x16xf32, #tpu.memory_space<vmem>>, %arg11: memref<16x16xf32, #tpu.memory_space<vmem_shared>>, %arg12: memref<!tpu.dma_semaphore, #tpu.memory_space<semaphore_mem>>) attributes {dimension_semantics = [#tpu.dimension_semantics<core_parallel>, #tpu.dimension_semantics<subcore_parallel>], iteration_bounds = array<i64: 2, 16>, scalar_prefetch = 0 : i64, scratch_operands = 7 : i64, tpu.core_type = #tpu.core_type<sc_vector_subcore>, window_params = [{transform_indices = #map}, {transform_indices = #map}, {transform_indices = #map}, {transform_indices = #map1}]} {
    %mul3A = arith.constant 2 : i32
    %mul3A_0 = arith.muli %arg1, %mul3A : i32
    %add3A = arith.addi %mul3A_0, %arg0 : i32
    %mul3A_1 = arith.constant 32 : i32
    %mul3A_2 = arith.muli %add3A, %mul3A_1 : i32
    "tpu.region"() ({
      %run_scoped3A = tpu.sem_alloc : memref<!tpu.dma_semaphore, #tpu.memory_space<semaphore_mem>>
      %dma_start3A = tpu.memref_slice %arg2[%mul3A_2] : memref<1024xi32, #tpu.memory_space<hbm>> -> memref<32xi32, #tpu.memory_space<hbm>>
      %dma_start3A_62 = tpu.memref_slice %arg2[%mul3A_2] : memref<1024xi32, #tpu.memory_space<hbm>> -> memref<32xi32, #tpu.memory_space<hbm>>
      tpu.enqueue_dma source(%dma_start3A_62 : memref<32xi32, #tpu.memory_space<hbm>>) target(%arg6 : memref<32xi32, #tpu.memory_space<vmem>>) target_semaphore(%run_scoped3A : memref<!tpu.dma_semaphore, #tpu.memory_space<semaphore_mem>>)
      %dma_wait3A = tpu.memref_slice %arg2[%mul3A_2] : memref<1024xi32, #tpu.memory_space<hbm>> -> memref<32xi32, #tpu.memory_space<hbm>>
      %dma_wait3A_63 = tpu.memref_slice %arg2[%mul3A_2] : memref<1024xi32, #tpu.memory_space<hbm>> -> memref<32xi32, #tpu.memory_space<hbm>>
      tpu.wait_dma2 semaphore(%run_scoped3A : memref<!tpu.dma_semaphore, #tpu.memory_space<semaphore_mem>>) src(%dma_wait3A_63 : memref<32xi32, #tpu.memory_space<hbm>>) dst(%arg6 : memref<32xi32, #tpu.memory_space<vmem>>)
      tpu.yield
    }) : () -> ()
    "tpu.region"() ({
      %run_scoped3A = tpu.sem_alloc : memref<!tpu.dma_semaphore, #tpu.memory_space<semaphore_mem>>
      %dma_start3A = tpu.memref_slice %arg3[%mul3A_2] : memref<1024xf32, #tpu.memory_space<hbm>> -> memref<32xf32, #tpu.memory_space<hbm>>
      %dma_start3A_62 = tpu.memref_slice %arg3[%mul3A_2] : memref<1024xf32, #tpu.memory_space<hbm>> -> memref<32xf32, #tpu.memory_space<hbm>>
      tpu.enqueue_dma source(%dma_start3A_62 : memref<32xf32, #tpu.memory_space<hbm>>) target(%arg7 : memref<32xf32, #tpu.memory_space<vmem>>) target_semaphore(%run_scoped3A : memref<!tpu.dma_semaphore, #tpu.memory_space<semaphore_mem>>)
      %dma_wait3A = tpu.memref_slice %arg3[%mul3A_2] : memref<1024xf32, #tpu.memory_space<hbm>> -> memref<32xf32, #tpu.memory_space<hbm>>
      %dma_wait3A_63 = tpu.memref_slice %arg3[%mul3A_2] : memref<1024xf32, #tpu.memory_space<hbm>> -> memref<32xf32, #tpu.memory_space<hbm>>
      tpu.wait_dma2 semaphore(%run_scoped3A : memref<!tpu.dma_semaphore, #tpu.memory_space<semaphore_mem>>) src(%dma_wait3A_63 : memref<32xf32, #tpu.memory_space<hbm>>) dst(%arg7 : memref<32xf32, #tpu.memory_space<vmem>>)
      tpu.yield
    }) : () -> ()
    "tpu.region"() ({
      %run_scoped3A = tpu.sem_alloc : memref<!tpu.dma_semaphore, #tpu.memory_space<semaphore_mem>>
      %dma_start3A = tpu.memref_slice %arg4[%mul3A_2] : memref<1024xf32, #tpu.memory_space<hbm>> -> memref<32xf32, #tpu.memory_space<hbm>>
      %dma_start3A_62 = tpu.memref_slice %arg4[%mul3A_2] : memref<1024xf32, #tpu.memory_space<hbm>> -> memref<32xf32, #tpu.memory_space<hbm>>
      tpu.enqueue_dma source(%dma_start3A_62 : memref<32xf32, #tpu.memory_space<hbm>>) target(%arg8 : memref<32xf32, #tpu.memory_space<vmem>>) target_semaphore(%run_scoped3A : memref<!tpu.dma_semaphore, #tpu.memory_space<semaphore_mem>>)
      %dma_wait3A = tpu.memref_slice %arg4[%mul3A_2] : memref<1024xf32, #tpu.memory_space<hbm>> -> memref<32xf32, #tpu.memory_space<hbm>>
      %dma_wait3A_63 = tpu.memref_slice %arg4[%mul3A_2] : memref<1024xf32, #tpu.memory_space<hbm>> -> memref<32xf32, #tpu.memory_space<hbm>>
      tpu.wait_dma2 semaphore(%run_scoped3A : memref<!tpu.dma_semaphore, #tpu.memory_space<semaphore_mem>>) src(%dma_wait3A_63 : memref<32xf32, #tpu.memory_space<hbm>>) dst(%arg8 : memref<32xf32, #tpu.memory_space<vmem>>)
      tpu.yield
    }) : () -> ()
    %broadcast_in_dim3A = arith.constant 0.000000e+00 : f32
    %broadcast_in_dim3A_3 = vector.broadcast %broadcast_in_dim3A : f32 to vector<16xf32>
    %get3A = arith.constant 0 : index
    %get3A_4 = tpu.vector_load %arg6[%get3A] {strides = array<i32>} : memref<32xi32, #tpu.memory_space<vmem>>, vector<16xi32>,
    %get3A_5 = vector.shape_cast %get3A_4 : vector<16xi32> to vector<16xi32>
    %get3A_6 = arith.constant 0 : index
    %get3A_7 = tpu.vector_load %arg7[%get3A_6] {strides = array<i32>} : memref<32xf32, #tpu.memory_space<vmem>>, vector<16xf32>,
    %get3A_8 = vector.shape_cast %get3A_7 : vector<16xf32> to vector<16xf32>
    %get3A_9 = arith.constant 0 : index
    %get3A_10 = tpu.vector_load %arg8[%get3A_9] {strides = array<i32>} : memref<32xf32, #tpu.memory_space<vmem>>, vector<16xf32>,
    %get3A_11 = vector.shape_cast %get3A_10 : vector<16xf32> to vector<16xf32>
    %ne3A = arith.constant 0 : i32
    %ne3A_12 = vector.broadcast %ne3A : i32 to vector<16xi32>
    %ne3A_13 = arith.cmpi ne, %get3A_5, %ne3A_12 : vector<16xi32>
    %jit3A = arith.constant 1.000000e+00 : f32
    %jit3A_14 = arith.constant 0.000000e+00 : f32
    %broadcast_in_dim3A_15 = vector.broadcast %jit3A : f32 to vector<16xf32>
    %broadcast_in_dim3A_16 = vector.broadcast %jit3A_14 : f32 to vector<16xf32>
    %select_n3A = arith.select %ne3A_13, %broadcast_in_dim3A_15, %broadcast_in_dim3A_16 : vector<16xi1>, vector<16xf32>
    %mul3A_17 = arith.constant 1.000020e-06 : f32
    %mul3A_18 = vector.broadcast %mul3A_17 : f32 to vector<16xf32>
    %mul3A_19 = arith.mulf %mul3A_18, %get3A_8 : vector<16xf32>
    %sub3A = arith.constant -1.47637355 : f32
    %sub3A_20 = vector.broadcast %sub3A : f32 to vector<16xf32>
    %sub3A_21 = arith.subf %sub3A_20, %mul3A_19 : vector<16xf32>
    %mul3A_22 = arith.constant -8.999990e-01 : f32
    %mul3A_23 = vector.broadcast %mul3A_22 : f32 to vector<16xf32>
    %mul3A_24 = arith.mulf %mul3A_23, %get3A_11 : vector<16xf32>
    %add3A_25 = arith.addf %sub3A_21, %mul3A_24 : vector<16xf32>
    %mul3A_26 = arith.mulf %select_n3A, %add3A_25 : vector<16xf32>
    %add3A_27 = arith.addf %broadcast_in_dim3A_3, %mul3A_26 : vector<16xf32>
    %get3A_28 = arith.constant 16 : index
    %get3A_29 = tpu.vector_load %arg6[%get3A_28] {strides = array<i32>} : memref<32xi32, #tpu.memory_space<vmem>>, vector<16xi32>,
    %get3A_30 = vector.shape_cast %get3A_29 : vector<16xi32> to vector<16xi32>
    %get3A_31 = arith.constant 16 : index
    %get3A_32 = tpu.vector_load %arg7[%get3A_31] {strides = array<i32>} : memref<32xf32, #tpu.memory_space<vmem>>, vector<16xf32>,
    %get3A_33 = vector.shape_cast %get3A_32 : vector<16xf32> to vector<16xf32>
    %get3A_34 = arith.constant 16 : index
    %get3A_35 = tpu.vector_load %arg8[%get3A_34] {strides = array<i32>} : memref<32xf32, #tpu.memory_space<vmem>>, vector<16xf32>,
    %get3A_36 = vector.shape_cast %get3A_35 : vector<16xf32> to vector<16xf32>
    %ne3A_37 = arith.constant 0 : i32
    %ne3A_38 = vector.broadcast %ne3A_37 : i32 to vector<16xi32>
    %ne3A_39 = arith.cmpi ne, %get3A_30, %ne3A_38 : vector<16xi32>
    %jit3A_40 = arith.constant 1.000000e+00 : f32
    %jit3A_41 = arith.constant 0.000000e+00 : f32
    %broadcast_in_dim3A_42 = vector.broadcast %jit3A_40 : f32 to vector<16xf32>
    %broadcast_in_dim3A_43 = vector.broadcast %jit3A_41 : f32 to vector<16xf32>
    %select_n3A_44 = arith.select %ne3A_39, %broadcast_in_dim3A_42, %broadcast_in_dim3A_43 : vector<16xi1>, vector<16xf32>
    %mul3A_45 = arith.constant 1.000020e-06 : f32
    %mul3A_46 = vector.broadcast %mul3A_45 : f32 to vector<16xf32>
    %mul3A_47 = arith.mulf %mul3A_46, %get3A_33 : vector<16xf32>
    %sub3A_48 = arith.constant -1.47637355 : f32
    %sub3A_49 = vector.broadcast %sub3A_48 : f32 to vector<16xf32>
    %sub3A_50 = arith.subf %sub3A_49, %mul3A_47 : vector<16xf32>
    %mul3A_51 = arith.constant -8.999990e-01 : f32
    %mul3A_52 = vector.broadcast %mul3A_51 : f32 to vector<16xf32>
    %mul3A_53 = arith.mulf %mul3A_52, %get3A_36 : vector<16xf32>
    %add3A_54 = arith.addf %sub3A_50, %mul3A_53 : vector<16xf32>
    %mul3A_55 = arith.mulf %select_n3A_44, %add3A_54 : vector<16xf32>
    %add3A_56 = arith.addf %add3A_27, %mul3A_55 : vector<16xf32>
    %swap3A = arith.constant 0 : index
    %swap3A_57 = tpu.vector_load %arg9[%swap3A] {strides = array<i32>} : memref<16xf32, #tpu.memory_space<vmem>>, vector<16xf32>,
    %swap3A_58 = vector.shape_cast %swap3A_57 : vector<16xf32> to vector<16xf32>
    %swap3A_59 = vector.shape_cast %add3A_56 : vector<16xf32> to vector<16xf32>
    tpu.vector_store %arg9[%swap3A], %swap3A_59 {strides = array<i32>} : memref<16xf32, #tpu.memory_space<vmem>>, vector<16xf32>,
    "tpu.region"() ({
      %run_scoped3A = tpu.sem_alloc : memref<!tpu.dma_semaphore, #tpu.memory_space<semaphore_mem>>
      %dma_start3A = arith.constant 0 : i32
      %dma_start3A_62 = tpu.memref_slice %arg11[%arg1, %dma_start3A] : memref<16x16xf32, #tpu.memory_space<vmem_shared>> -> memref<1x16xf32, #tpu.memory_space<vmem_shared>>
      %dma_start3A_63 = tpu.memref_squeeze %dma_start3A_62 : memref<1x16xf32, #tpu.memory_space<vmem_shared>> -> memref<16xf32, #tpu.memory_space<vmem_shared>>
      %dma_start3A_64 = arith.constant 0 : i32
      %dma_start3A_65 = tpu.memref_slice %arg11[%arg1, %dma_start3A_64] : memref<16x16xf32, #tpu.memory_space<vmem_shared>> -> memref<1x16xf32, #tpu.memory_space<vmem_shared>>
      %dma_start3A_66 = tpu.memref_squeeze %dma_start3A_65 : memref<1x16xf32, #tpu.memory_space<vmem_shared>> -> memref<16xf32, #tpu.memory_space<vmem_shared>>
      tpu.enqueue_dma source(%arg9 : memref<16xf32, #tpu.memory_space<vmem>>) target(%dma_start3A_66 : memref<16xf32, #tpu.memory_space<vmem_shared>>) target_semaphore(%run_scoped3A : memref<!tpu.dma_semaphore, #tpu.memory_space<semaphore_mem>>)
      %dma_wait3A = arith.constant 0 : i32
      %dma_wait3A_67 = tpu.memref_slice %arg11[%arg1, %dma_wait3A] : memref<16x16xf32, #tpu.memory_space<vmem_shared>> -> memref<1x16xf32, #tpu.memory_space<vmem_shared>>
      %dma_wait3A_68 = tpu.memref_squeeze %dma_wait3A_67 : memref<1x16xf32, #tpu.memory_space<vmem_shared>> -> memref<16xf32, #tpu.memory_space<vmem_shared>>
      %dma_wait3A_69 = arith.constant 0 : i32
      %dma_wait3A_70 = tpu.memref_slice %arg11[%arg1, %dma_wait3A_69] : memref<16x16xf32, #tpu.memory_space<vmem_shared>> -> memref<1x16xf32, #tpu.memory_space<vmem_shared>>
      %dma_wait3A_71 = tpu.memref_squeeze %dma_wait3A_70 : memref<1x16xf32, #tpu.memory_space<vmem_shared>> -> memref<16xf32, #tpu.memory_space<vmem_shared>>
      tpu.wait_dma2 semaphore(%run_scoped3A : memref<!tpu.dma_semaphore, #tpu.memory_space<semaphore_mem>>) src(%arg9 : memref<16xf32, #tpu.memory_space<vmem>>) dst(%dma_wait3A_71 : memref<16xf32, #tpu.memory_space<vmem_shared>>)
      tpu.yield
    }) : () -> ()
    %barrier3A = arith.constant 0 : index
    tpu.barrier barrier_id(%barrier3A)
    %eq3A = arith.constant 0 : i32
    %eq3A_60 = arith.cmpi eq, %arg1, %eq3A : i32
    %convert_element_type3A = arith.extui %eq3A_60 : i1 to i32
    %cond3A = arith.constant 0 : i32
    %cond3A_61 = arith.cmpi ne, %convert_element_type3A, %cond3A : i32
    scf.if %cond3A_61 {
      "tpu.region"() ({
        %run_scoped3A = tpu.sem_alloc : memref<!tpu.dma_semaphore, #tpu.memory_space<semaphore_mem>>
        tpu.enqueue_dma source(%arg11 : memref<16x16xf32, #tpu.memory_space<vmem_shared>>) target(%arg10 : memref<16x16xf32, #tpu.memory_space<vmem>>) target_semaphore(%run_scoped3A : memref<!tpu.dma_semaphore, #tpu.memory_space<semaphore_mem>>)
        tpu.wait_dma2 semaphore(%run_scoped3A : memref<!tpu.dma_semaphore, #tpu.memory_space<semaphore_mem>>) src(%arg11 : memref<16x16xf32, #tpu.memory_space<vmem_shared>>) dst(%arg10 : memref<16x16xf32, #tpu.memory_space<vmem>>)
        tpu.yield
      }) : () -> ()
      %broadcast_in_dim3A_62 = arith.constant 0.000000e+00 : f32
      %broadcast_in_dim3A_63 = vector.broadcast %broadcast_in_dim3A_62 : f32 to vector<16xf32>
      %get3A_64 = arith.constant 0 : i32
      %get3A_65 = arith.index_cast %get3A_64 : i32 to index
      %get3A_66 = arith.constant 0 : index
      %get3A_67 = tpu.vector_load %arg10[%get3A_65, %get3A_66] {strides = array<i32>} : memref<16x16xf32, #tpu.memory_space<vmem>>, vector<1x16xf32>,
      %get3A_68 = vector.shape_cast %get3A_67 : vector<1x16xf32> to vector<16xf32>
      %add3A_69 = arith.addf %broadcast_in_dim3A_63, %get3A_68 : vector<16xf32>
      %get3A_70 = arith.constant 1 : i32
      %get3A_71 = arith.index_cast %get3A_70 : i32 to index
      %get3A_72 = arith.constant 0 : index
      %get3A_73 = tpu.vector_load %arg10[%get3A_71, %get3A_72] {strides = array<i32>} : memref<16x16xf32, #tpu.memory_space<vmem>>, vector<1x16xf32>,
      %get3A_74 = vector.shape_cast %get3A_73 : vector<1x16xf32> to vector<16xf32>
      %add3A_75 = arith.addf %add3A_69, %get3A_74 : vector<16xf32>
      %get3A_76 = arith.constant 2 : i32
      %get3A_77 = arith.index_cast %get3A_76 : i32 to index
      %get3A_78 = arith.constant 0 : index
      %get3A_79 = tpu.vector_load %arg10[%get3A_77, %get3A_78] {strides = array<i32>} : memref<16x16xf32, #tpu.memory_space<vmem>>, vector<1x16xf32>,
      %get3A_80 = vector.shape_cast %get3A_79 : vector<1x16xf32> to vector<16xf32>
      %add3A_81 = arith.addf %add3A_75, %get3A_80 : vector<16xf32>
      %get3A_82 = arith.constant 3 : i32
      %get3A_83 = arith.index_cast %get3A_82 : i32 to index
      %get3A_84 = arith.constant 0 : index
      %get3A_85 = tpu.vector_load %arg10[%get3A_83, %get3A_84] {strides = array<i32>} : memref<16x16xf32, #tpu.memory_space<vmem>>, vector<1x16xf32>,
      %get3A_86 = vector.shape_cast %get3A_85 : vector<1x16xf32> to vector<16xf32>
      %add3A_87 = arith.addf %add3A_81, %get3A_86 : vector<16xf32>
      %get3A_88 = arith.constant 4 : i32
      %get3A_89 = arith.index_cast %get3A_88 : i32 to index
      %get3A_90 = arith.constant 0 : index
      %get3A_91 = tpu.vector_load %arg10[%get3A_89, %get3A_90] {strides = array<i32>} : memref<16x16xf32, #tpu.memory_space<vmem>>, vector<1x16xf32>,
      %get3A_92 = vector.shape_cast %get3A_91 : vector<1x16xf32> to vector<16xf32>
      %add3A_93 = arith.addf %add3A_87, %get3A_92 : vector<16xf32>
      %get3A_94 = arith.constant 5 : i32
      %get3A_95 = arith.index_cast %get3A_94 : i32 to index
      %get3A_96 = arith.constant 0 : index
      %get3A_97 = tpu.vector_load %arg10[%get3A_95, %get3A_96] {strides = array<i32>} : memref<16x16xf32, #tpu.memory_space<vmem>>, vector<1x16xf32>,
      %get3A_98 = vector.shape_cast %get3A_97 : vector<1x16xf32> to vector<16xf32>
      %add3A_99 = arith.addf %add3A_93, %get3A_98 : vector<16xf32>
      %get3A_100 = arith.constant 6 : i32
      %get3A_101 = arith.index_cast %get3A_100 : i32 to index
      %get3A_102 = arith.constant 0 : index
      %get3A_103 = tpu.vector_load %arg10[%get3A_101, %get3A_102] {strides = array<i32>} : memref<16x16xf32, #tpu.memory_space<vmem>>, vector<1x16xf32>,
      %get3A_104 = vector.shape_cast %get3A_103 : vector<1x16xf32> to vector<16xf32>
      %add3A_105 = arith.addf %add3A_99, %get3A_104 : vector<16xf32>
      %get3A_106 = arith.constant 7 : i32
      %get3A_107 = arith.index_cast %get3A_106 : i32 to index
      %get3A_108 = arith.constant 0 : index
      %get3A_109 = tpu.vector_load %arg10[%get3A_107, %get3A_108] {strides = array<i32>} : memref<16x16xf32, #tpu.memory_space<vmem>>, vector<1x16xf32>,
      %get3A_110 = vector.shape_cast %get3A_109 : vector<1x16xf32> to vector<16xf32>
      %add3A_111 = arith.addf %add3A_105, %get3A_110 : vector<16xf32>
      %get3A_112 = arith.constant 8 : i32
      %get3A_113 = arith.index_cast %get3A_112 : i32 to index
      %get3A_114 = arith.constant 0 : index
      %get3A_115 = tpu.vector_load %arg10[%get3A_113, %get3A_114] {strides = array<i32>} : memref<16x16xf32, #tpu.memory_space<vmem>>, vector<1x16xf32>,
      %get3A_116 = vector.shape_cast %get3A_115 : vector<1x16xf32> to vector<16xf32>
      %add3A_117 = arith.addf %add3A_111, %get3A_116 : vector<16xf32>
      %get3A_118 = arith.constant 9 : i32
      %get3A_119 = arith.index_cast %get3A_118 : i32 to index
      %get3A_120 = arith.constant 0 : index
      %get3A_121 = tpu.vector_load %arg10[%get3A_119, %get3A_120] {strides = array<i32>} : memref<16x16xf32, #tpu.memory_space<vmem>>, vector<1x16xf32>,
      %get3A_122 = vector.shape_cast %get3A_121 : vector<1x16xf32> to vector<16xf32>
      %add3A_123 = arith.addf %add3A_117, %get3A_122 : vector<16xf32>
      %get3A_124 = arith.constant 10 : i32
      %get3A_125 = arith.index_cast %get3A_124 : i32 to index
      %get3A_126 = arith.constant 0 : index
      %get3A_127 = tpu.vector_load %arg10[%get3A_125, %get3A_126] {strides = array<i32>} : memref<16x16xf32, #tpu.memory_space<vmem>>, vector<1x16xf32>,
      %get3A_128 = vector.shape_cast %get3A_127 : vector<1x16xf32> to vector<16xf32>
      %add3A_129 = arith.addf %add3A_123, %get3A_128 : vector<16xf32>
      %get3A_130 = arith.constant 11 : i32
      %get3A_131 = arith.index_cast %get3A_130 : i32 to index
      %get3A_132 = arith.constant 0 : index
      %get3A_133 = tpu.vector_load %arg10[%get3A_131, %get3A_132] {strides = array<i32>} : memref<16x16xf32, #tpu.memory_space<vmem>>, vector<1x16xf32>,
      %get3A_134 = vector.shape_cast %get3A_133 : vector<1x16xf32> to vector<16xf32>
      %add3A_135 = arith.addf %add3A_129, %get3A_134 : vector<16xf32>
      %get3A_136 = arith.constant 12 : i32
      %get3A_137 = arith.index_cast %get3A_136 : i32 to index
      %get3A_138 = arith.constant 0 : index
      %get3A_139 = tpu.vector_load %arg10[%get3A_137, %get3A_138] {strides = array<i32>} : memref<16x16xf32, #tpu.memory_space<vmem>>, vector<1x16xf32>,
      %get3A_140 = vector.shape_cast %get3A_139 : vector<1x16xf32> to vector<16xf32>
      %add3A_141 = arith.addf %add3A_135, %get3A_140 : vector<16xf32>
      %get3A_142 = arith.constant 13 : i32
      %get3A_143 = arith.index_cast %get3A_142 : i32 to index
      %get3A_144 = arith.constant 0 : index
      %get3A_145 = tpu.vector_load %arg10[%get3A_143, %get3A_144] {strides = array<i32>} : memref<16x16xf32, #tpu.memory_space<vmem>>, vector<1x16xf32>,
      %get3A_146 = vector.shape_cast %get3A_145 : vector<1x16xf32> to vector<16xf32>
      %add3A_147 = arith.addf %add3A_141, %get3A_146 : vector<16xf32>
      %get3A_148 = arith.constant 14 : i32
      %get3A_149 = arith.index_cast %get3A_148 : i32 to index
      %get3A_150 = arith.constant 0 : index
      %get3A_151 = tpu.vector_load %arg10[%get3A_149, %get3A_150] {strides = array<i32>} : memref<16x16xf32, #tpu.memory_space<vmem>>, vector<1x16xf32>,
      %get3A_152 = vector.shape_cast %get3A_151 : vector<1x16xf32> to vector<16xf32>
      %add3A_153 = arith.addf %add3A_147, %get3A_152 : vector<16xf32>
      %get3A_154 = arith.constant 15 : i32
      %get3A_155 = arith.index_cast %get3A_154 : i32 to index
      %get3A_156 = arith.constant 0 : index
      %get3A_157 = tpu.vector_load %arg10[%get3A_155, %get3A_156] {strides = array<i32>} : memref<16x16xf32, #tpu.memory_space<vmem>>, vector<1x16xf32>,
      %get3A_158 = vector.shape_cast %get3A_157 : vector<1x16xf32> to vector<16xf32>
      %add3A_159 = arith.addf %add3A_153, %get3A_158 : vector<16xf32>
      %swap3A_160 = arith.constant 0 : index
      %swap3A_161 = tpu.vector_load %arg9[%swap3A_160] {strides = array<i32>} : memref<16xf32, #tpu.memory_space<vmem>>, vector<16xf32>,
      %swap3A_162 = vector.shape_cast %swap3A_161 : vector<16xf32> to vector<16xf32>
      %swap3A_163 = vector.shape_cast %add3A_159 : vector<16xf32> to vector<16xf32>
      tpu.vector_store %arg9[%swap3A_160], %swap3A_163 {strides = array<i32>} : memref<16xf32, #tpu.memory_space<vmem>>, vector<16xf32>,
      "tpu.region"() ({
        %run_scoped3A = tpu.sem_alloc : memref<!tpu.dma_semaphore, #tpu.memory_space<semaphore_mem>>
        %dma_start3A = arith.constant 0 : i32
        %dma_start3A_164 = tpu.memref_slice %arg5[%arg0, %dma_start3A] : memref<2x16xf32, #tpu.memory_space<hbm>> -> memref<1x16xf32, #tpu.memory_space<hbm>>
        %dma_start3A_165 = tpu.memref_squeeze %dma_start3A_164 : memref<1x16xf32, #tpu.memory_space<hbm>> -> memref<16xf32, #tpu.memory_space<hbm>>
        %dma_start3A_166 = arith.constant 0 : i32
        %dma_start3A_167 = tpu.memref_slice %arg5[%arg0, %dma_start3A_166] : memref<2x16xf32, #tpu.memory_space<hbm>> -> memref<1x16xf32, #tpu.memory_space<hbm>>
        %dma_start3A_168 = tpu.memref_squeeze %dma_start3A_167 : memref<1x16xf32, #tpu.memory_space<hbm>> -> memref<16xf32, #tpu.memory_space<hbm>>
        tpu.enqueue_dma source(%arg9 : memref<16xf32, #tpu.memory_space<vmem>>) target(%dma_start3A_168 : memref<16xf32, #tpu.memory_space<hbm>>) target_semaphore(%run_scoped3A : memref<!tpu.dma_semaphore, #tpu.memory_space<semaphore_mem>>)
        %dma_wait3A = arith.constant 0 : i32
        %dma_wait3A_169 = tpu.memref_slice %arg5[%arg0, %dma_wait3A] : memref<2x16xf32, #tpu.memory_space<hbm>> -> memref<1x16xf32, #tpu.memory_space<hbm>>
        %dma_wait3A_170 = tpu.memref_squeeze %dma_wait3A_169 : memref<1x16xf32, #tpu.memory_space<hbm>> -> memref<16xf32, #tpu.memory_space<hbm>>
        %dma_wait3A_171 = arith.constant 0 : i32
        %dma_wait3A_172 = tpu.memref_slice %arg5[%arg0, %dma_wait3A_171] : memref<2x16xf32, #tpu.memory_space<hbm>> -> memref<1x16xf32, #tpu.memory_space<hbm>>
        %dma_wait3A_173 = tpu.memref_squeeze %dma_wait3A_172 : memref<1x16xf32, #tpu.memory_space<hbm>> -> memref<16xf32, #tpu.memory_space<hbm>>
        tpu.wait_dma2 semaphore(%run_scoped3A : memref<!tpu.dma_semaphore, #tpu.memory_space<semaphore_mem>>) src(%arg9 : memref<16xf32, #tpu.memory_space<vmem>>) dst(%dma_wait3A_173 : memref<16xf32, #tpu.memory_space<hbm>>)
        tpu.yield
      }) : () -> ()
    } else {
    }
    return
  }
}

module attributes {stable_mosaic.version = 14 : i64} {
  func.func @_tc_body(%arg0: i32, %arg1: memref<1x1x32xi32, #tpu.memory_space<vmem>>, %arg2: memref<32x100000xf32, #tpu.memory_space<vmem>>, %arg3: memref<1x1x32xf32, #tpu.memory_space<vmem>>, %arg4: memref<1x1x32xf32, #tpu.memory_space<vmem>>) attributes {dimension_semantics = [#tpu.dimension_semantics<arbitrary>], iteration_bounds = array<i64: 32>, scalar_prefetch = 0 : i64, scratch_operands = 0 : i64, tpu.core_type = #tpu.core_type<tc>, window_params = [{transform_indices = @transform_0, window_bounds = array<i64: 1, 1, 32>}, {transform_indices = @transform_1, window_bounds = array<i64: 32, 100000>}, {transform_indices = @transform_2, window_bounds = array<i64: 1, 1, 32>}, {transform_indices = @transform_3, window_bounds = array<i64: 1, 1, 32>}]} {
    %get3A = arith.constant 0 : index
    %get3A_0 = arith.constant 0 : index
    %get3A_1 = vector.load %arg2[%get3A, %get3A_0] : memref<32x100000xf32, #tpu.memory_space<vmem>>, vector<32x100000xf32>
    %get3A_2 = arith.constant 0 : index
    %get3A_3 = arith.constant 0 : index
    %get3A_4 = arith.constant 0 : index
    %get3A_5 = vector.load %arg1[%get3A_2, %get3A_3, %get3A_4] : memref<1x1x32xi32, #tpu.memory_space<vmem>>, vector<1x1x32xi32>
    %get3A_6 = vector.shape_cast %get3A_5 : vector<1x1x32xi32> to vector<32xi32>
    %iota3A = tpu.iota {dimensions = array<i32: 1>} : vector<32x100000xi32>
    %broadcast_in_dim3A = vector.shape_cast %get3A_6 : vector<32xi32> to vector<32x1xi32>
    %eq3A = vector.broadcast %broadcast_in_dim3A : vector<32x1xi32> to vector<32x100000xi32>
    %eq3A_7 = arith.cmpi eq, %iota3A, %eq3A : vector<32x100000xi32>
    %jit3A = arith.constant 0.000000e+00 : f32
    %broadcast_in_dim3A_8 = vector.broadcast %jit3A : f32 to vector<32x100000xf32>
    %select_n3A = arith.select %eq3A_7, %get3A_1, %broadcast_in_dim3A_8 : vector<32x100000xi1>, vector<32x100000xf32>
    %reduce_sum3A = arith.constant dense<0.000000e+00> : vector<32xf32>
    %reduce_sum3A_9 = vector.multi_reduction <add>, %select_n3A, %reduce_sum3A [1] : vector<32x100000xf32> to vector<32xf32>
    %reduce_sum3A_10 = arith.constant dense<0.000000e+00> : vector<32xf32>
    %reduce_sum3A_11 = vector.multi_reduction <add>, %get3A_1, %reduce_sum3A_10 [1] : vector<32x100000xf32> to vector<32xf32>
    %slice3A = vector.extract_strided_slice %get3A_1 {offsets = [0, 0], sizes = [32, 1], strides = [1, 1]} : vector<32x100000xf32> to vector<32x1xf32>
    %squeeze3A = vector.shape_cast %slice3A : vector<32x1xf32> to vector<32xf32>
    %sub3A = arith.subf %reduce_sum3A_11, %squeeze3A : vector<32xf32>
    %broadcast_in_dim3A_12 = vector.shape_cast %sub3A : vector<32xf32> to vector<1x1x32xf32>
    %swap3A = arith.constant 0 : index
    %swap3A_13 = arith.constant 0 : index
    %swap3A_14 = arith.constant 0 : index
    %swap3A_15 = vector.load %arg3[%swap3A, %swap3A_13, %swap3A_14] : memref<1x1x32xf32, #tpu.memory_space<vmem>>, vector<1x1x32xf32>
    tpu.vector_store %arg3[%swap3A, %swap3A_13, %swap3A_14], %broadcast_in_dim3A_12 {strides = array<i32>} : memref<1x1x32xf32, #tpu.memory_space<vmem>>, vector<1x1x32xf32>,
    %broadcast_in_dim3A_16 = vector.shape_cast %reduce_sum3A_9 : vector<32xf32> to vector<1x1x32xf32>
    %swap3A_17 = arith.constant 0 : index
    %swap3A_18 = arith.constant 0 : index
    %swap3A_19 = arith.constant 0 : index
    %swap3A_20 = vector.load %arg4[%swap3A_17, %swap3A_18, %swap3A_19] : memref<1x1x32xf32, #tpu.memory_space<vmem>>, vector<1x1x32xf32>
    tpu.vector_store %arg4[%swap3A_17, %swap3A_18, %swap3A_19], %broadcast_in_dim3A_16 {strides = array<i32>} : memref<1x1x32xf32, #tpu.memory_space<vmem>>, vector<1x1x32xf32>,
    return
  }
  func.func @transform_0(%arg0: i32) -> (i32, i32, i32) {
    %c0_i32 = arith.constant 0 : i32
    %c0_i32_0 = arith.constant 0 : i32
    %c0_i32_1 = arith.constant 0 : i32
    return %arg0, %c0_i32, %c0_i32_0 : i32, i32, i32
  }
  func.func @transform_1(%arg0: i32) -> (i32, i32) {
    %c0_i32 = arith.constant 0 : i32
    %c0_i32_0 = arith.constant 0 : i32
    return %arg0, %c0_i32 : i32, i32
  }
  func.func @transform_2(%arg0: i32) -> (i32, i32, i32) {
    %c0_i32 = arith.constant 0 : i32
    %c0_i32_0 = arith.constant 0 : i32
    %c0_i32_1 = arith.constant 0 : i32
    return %arg0, %c0_i32, %c0_i32_0 : i32, i32, i32
  }
  func.func @transform_3(%arg0: i32) -> (i32, i32, i32) {
    %c0_i32 = arith.constant 0 : i32
    %c0_i32_0 = arith.constant 0 : i32
    %c0_i32_1 = arith.constant 0 : i32
    return %arg0, %c0_i32, %c0_i32_0 : i32, i32, i32
  }
}

</mosaic_0001>

<sc_bundles>
// kernel: kernel.4.cloned.1.call-start
scs
__scs_entry_jumppad:
0x0: {  	(pc) =	sbr.rel $0x88, $3  }
0x1: {  	(tag) =	ssettag $0x0;
	lr =	simm.s32 $0x1  }
0x2: {  	[smem:$0x3F9F] =	sst lr;
	_ =	strace $0xD0000000  }
0x3: {  	_ = 	snop  }
0x4: {  	_ = 	snop  }
0x5: {  	_ = 	snop  }
0x6: {  	_ = 	snop  }
0x7: {  	_ = 	snop  }
__scs_overlays_trampoline_lowered:
0x8: {  	[smem:$0x3FAE] =	sst s0  }
0x9: {  	[smem:$0x3FAF] =	sst s1  }
0xa: {  	[smem:$0x3FB0] =	sst s2  }
0xb: {  	[smem:$0x3FB1] =	sst s3  }
0xc: {  	[smem:$0x3FB2] =	sst s4  }
0xd: {  	[smem:$0x3FB3] =	sst s5  }
0xe: {  	[smem:$0x3FB4] =	sst s6  }
0xf: {  	[smem:$0x3FB5] =	sst s7  }
0x10: {  	[smem:$0x3FB6] =	sst s8  }
0x11: {  	[smem:$0x3FB7] =	sst s9;
	s0 =	simm.s32 @!p0 $0x0  }
0x12: {  	s1 =	sld [smem:$0x3F9D];
	s0 =	simm.s32 @p0 $0x1  }
0x13: {  	[smem:$0x3FB8] =	sst s0;
	s0 =	simm.s32 @!p1 $0x0  }
0x14: {  	s2 =	sld [smem:$0x3F9C];
	s0 =	simm.s32 @p1 $0x1  }
0x15: {  	[smem:$0x3FB9] =	sst s0;
	s0 =	simm.s32 @!p2 $0x0  }
0x16: {  	s3 =	sld [smem:$0x3FDB];
	s0 =	simm.s32 @p2 $0x1  }
0x17: {  	s4 =	simm.s32 $0x1BF5;
	[smem:$0x3FBB] =	sst s0  }
0x18: {  	s0 =	sld [smem:$0x3F9E];
	_ =	swait.ge [sflag:s4], $0x0  }
0x19: {  	s7 =	sld [smem:$0x3F9F]  }
0x1a: {  	s8 =	sadd.s32 $0xFFFFE003, lr  }
0x1b: {  	s9 =	sadd.s32 $0xFFFFFEF7, lr;
	s5 =	simm.s32 $0xFFFFFFFF;
	p2 =	slt.u32 s8, $0xFFFFF086  }
0x1c: {  	p1 =	slt.u32 s9, $0xF7A;
	s5 =	simm.s32 @!p2 $0x0  }
0x1d: {  	s5 =	simm.s32 @p1 $0x1;
	p0 =	seq.s32 s7, s2  }
0x1e: {  	s7 =	smul.u32 @!p0 $0xF7A, s2;
	p2 =	seq.s32 @!p0 s5, $0x0  }
0x1f: {  	s9 =	smul.u32 $0xF7A, s1;
	s8 =	simm.s32 @!p0 $0x1BF5;
	p2 =	por !p2, p0  }
0x20: {  	[sflag:s8] =	ssyncset.s32 @!p0 $0xFFFFF086;
	s6 =	sadd.s32 @!p0 s3, s7;
	s7 =	simm.s32 @!p0 $0x108  }
0x21: {  	s3 =	sadd.s32 s3, s9;
	s6 =	sadd.s32 @!p0 $0x88, s6;
	s7 =	simm.s32 @p2 $0x1082  }
0x22: {  	[simem:s7], [sflag:s8] =	dma.local @!p0 [hbm:s6], $0xF7A  }
0x23: {  	s9 =	sor.u32 $0xD0000000, s2;
	s6 =	simm.s32 $0x108;
	_ =	swait.ge @!p0 [sflag:s8], $0x0  }
0x24: {  	s3 =	sadd.s32 $0x88, s3;
	s6 =	simm.s32 @!p1 $0x1082;
	[sflag:s4] =	ssyncset.s32 $0xFFFFF086  }
0x25: {  	[simem:s6], [sflag:s4] =	dma.local [hbm:s3], $0xF7A  }
0x26: {  	[smem:$0x3F9F] =	sst s1;
	(tag) =	ssettag s2;
	_ =	strace s9  }
0x27: {  	s1 =	sld [smem:$0x3FAF]  }
0x28: {  	s2 =	sld [smem:$0x3FB0]  }
0x29: {  	s4 =	sld [smem:$0x3FB2]  }
0x2a: {  	p0 =	seq.s32 s5, $0x0;
	s5 =	sld [smem:$0x3FB3]  }
0x2b: {  	s6 =	sld [smem:$0x3FB4]  }
0x2c: {  	s7 =	sld [smem:$0x3FB5]  }
0x2d: {  	s3 =	simm.s32 $0x108;
	s8 =	sld [smem:$0x3FB6]  }
0x2e: {  	s3 =	simm.s32 @!p0 $0x1082;
	s9 =	sld [smem:$0x3FB7]  }
0x2f: {  	lr =	sadd.s32 s0, s3;
	s0 =	sld [smem:$0x3FAE]  }
0x30: {  	s3 =	sld [smem:$0x3FB1]  }
0x31: {  	[smem:$0x3FBA] =	sst s10  }
0x32: {  	s10 =	sld [smem:$0x3FB8];
	_ =	sdelay $0x3  }
0x33: {  	p0 =	seq.s32 s10, $0x1;
	s10 =	sld [smem:$0x3FBA];
	_ =	sdelay $0x3  }
0x34: {  	[smem:$0x3FBA] =	sst s10  }
0x35: {  	s10 =	sld [smem:$0x3FB9];
	_ =	sdelay $0x3  }
0x36: {  	p1 =	seq.s32 s10, $0x1;
	s10 =	sld [smem:$0x3FBA];
	_ =	sdelay $0x3  }
0x37: {  	[smem:$0x3FBA] =	sst s10  }
0x38: {  	s10 =	sld [smem:$0x3FBB]  }
0x39: {  	_ = 	snop;
	(pc) =	sbr.ind lr, $3  }
0x3a: {  	_ = 	snop  }
0x3b: {  	_ = 	snop  }
0x3c: {  	p2 =	seq.s32 s10, $0x1;
	s10 =	sld [smem:$0x3FBA]  }
0x3d: {  	_ =	shalt  }
0x3e: {  	_ =	shalt  }
0x3f: {  	_ =	shalt  }
0x40: {  	_ =	shalt  }
0x41: {  	_ =	shalt  }
0x42: {  	_ =	shalt  }
0x43: {  	_ =	shalt  }
0x44: {  	_ =	shalt  }
0x45: {  	_ =	shalt  }
0x46: {  	_ =	shalt  }
0x47: {  	_ =	shalt  }
0x48: {  	_ =	shalt  }
0x49: {  	_ =	shalt  }
0x4a: {  	_ =	shalt  }
0x4b: {  	_ =	shalt  }
0x4c: {  	_ =	shalt  }
0x4d: {  	_ =	shalt  }
0x4e: {  	_ =	shalt  }
0x4f: {  	_ =	shalt  }
0x50: {  	_ =	shalt  }
0x51: {  	_ =	shalt  }
0x52: {  	_ =	shalt  }
0x53: {  	_ =	shalt  }
0x54: {  	_ =	shalt  }
0x55: {  	_ =	shalt  }
0x56: {  	_ =	shalt  }
0x57: {  	_ =	shalt  }
0x58: {  	_ =	shalt  }
0x59: {  	_ =	shalt  }
0x5a: {  	_ =	shalt  }
0x5b: {  	_ =	shalt  }
0x5c: {  	_ =	shalt  }
0x5d: {  	_ =	shalt  }
0x5e: {  	_ =	shalt  }
0x5f: {  	_ =	shalt  }
0x60: {  	_ =	shalt  }
0x61: {  	_ =	shalt  }
0x62: {  	_ =	shalt  }
0x63: {  	_ =	shalt  }
0x64: {  	_ =	shalt  }
0x65: {  	_ =	shalt  }
0x66: {  	_ =	shalt  }
0x67: {  	_ =	shalt  }
0x68: {  	_ =	shalt  }
0x69: {  	_ =	shalt  }
0x6a: {  	_ =	shalt  }
0x6b: {  	_ =	shalt  }
0x6c: {  	_ =	shalt  }
0x6d: {  	_ =	shalt  }
0x6e: {  	_ =	shalt  }
0x6f: {  	_ =	shalt  }
0x70: {  	_ =	shalt  }
0x71: {  	_ =	shalt  }
0x72: {  	_ =	shalt  }
0x73: {  	_ =	shalt  }
0x74: {  	_ =	shalt  }
0x75: {  	_ =	shalt  }
0x76: {  	_ =	shalt  }
0x77: {  	_ =	shalt  }
0x78: {  	_ =	shalt  }
0x79: {  	_ =	shalt  }
0x7a: {  	_ =	shalt  }
0x7b: {  	_ =	shalt  }
0x7c: {  	_ =	shalt  }
0x7d: {  	_ =	shalt  }
0x7e: {  	_ =	shalt  }
0x7f: {  	_ =	shalt  }
0x80: {  	_ =	shalt  }
0x81: {  	_ =	shalt  }
0x82: {  	_ =	shalt  }
0x83: {  	_ =	shalt  }
0x84: {  	_ =	shalt  }
0x85: {  	_ =	shalt  }
0x86: {  	_ =	shalt  }
0x87: {  	_ =	shalt  }
.Lfunc_end0:
.L_simem_size_0:
called_computation_lowered:
.L_overlay_start_0:
0x88: {  	s2 =	sld [smem:$0x3FD9]  }
0x89: {  	s3 =	sld [smem:$0x3FFE];
	_ =	sdelay $0x1  }
0x8a: {  	s1 =	srdreg.scid  }
0x8b: {  	s0 =	sand.u32 $0x1, s1  }
0x8c: {  	s17 =	sshll.u32 s0, $0xA;
	s2 =	sadd.s32 s3, s2  }
0x8d: {  	s2 =	sadd.s32 s2, s17  }
0x8e: {  	[smem:$0x3FC6] =	sst s2  }
0x8f: {  	_ = 	snop  }
0x90: {  	s2 =	sld [smem:$0x3FC8]  }
0x91: {  	s18 =	sld [smem:$0x3FD0];
	(tm) =	ssettm $0x1  }
0x92: {  	s4 =	sld [smem:$0x3FFB];
	_ =	sdelay $0x3  }
0x93: {  	_ =	strace s4  }
0x94: {  	s4 =	sld [smem:$0x3FFC];
	_ =	sdelay $0x3  }
0x95: {  	_ =	strace s4  }
0x96: {  	s4 =	sld [smem:$0x3FFD];
	_ =	sdelay $0x3  }
0x97: {  	_ =	strace s4  }
0x98: {  	_ =	strace $0x8FFFFFFF  }
0x99: {  	s19 =	sld [smem:$0x3FDB];
	_ =	sdelay $0x1  }
0x9a: {  	s5 =	simm.s32 $_scs_section_size  }
0x9b: {  	s6 =	simm.s32 $_size__tile_overlayer_lowered;
	s7 =	simm.s32 $_tile_overlayer_lowered  }
0x9c: {  	s22 =	simm.s32 $0x1BFF;
	s21 =	sshll.u32 s7, $0x1;
	s4 =	sadd.s32 s5, s19  }
0x9d: {  	s8 =	simm.s32 $0x0;
	s20 =	sshll.u32 s6, $0x1;
	s6 =	sadd.s32 s21, s4  }
0x9e: {  	[timem:s8], [sflag:s22] =	dma.local [hbm:s6], s20  }
0x9f: {  	_ =	swait.ge [sflag:s22], s20  }
0xa0: {  	s5 =	ssub.s32 $0x0, s20;
	[sflag:s22] =	ssyncset.done $0x0  }
0xa1: {  	[sflag:s22] =	ssyncadd.s32 s5;
	_ =	sdelay $0x1  }
0xa2: {  	s23 =	simm.s32 $0x1B8B  }
0xa3: {  	_ =	swait.ge [sflag:s23], $0x1  }
0xa4: {  	[sflag:s23] =	ssyncset.done $0x0  }
0xa5: {  	s25 =	simm.s32 $0x1B8E;
	s24 =	sld [smem:$0x3FFE];
	[sflag:s23] =	ssyncadd.s32 $0xFFFFFFFF  }
0xa6: {  	s26 =	simm.s32 $execute0_lowered;
	[smem:$0x3FD2] =	sst s25  }
0xa7: {  	s6 =	sshll.u32 s26, $0x1;
	_ =	strace $0x80000046;
	[dreg:$0x1] =	wrdreg $0xFFFFFFFF  }
0xa8: {  	s28 =	simm.s32 $_size_execute0_lowered;
	s4 =	sadd.s32 s4, s6;
	[dreg:$0x0] =	wrdreg $0x0  }
0xa9: {  	s6 =	sshll.u32 s28, $0x1;
	[dreg:$0x2] =	wrdreg s4  }
0xaa: {  	[dreg:$0x3] =	wrdreg s6  }
0xab: {  	[dreg:$0x4] =	wrdreg $0xC0  }
0xac: {  	_ =	task [dreg:s8], $0x5FFFF  }
0xad: {  	[dreg:$0x1] =	wrdreg $0xFFFFFFFF  }
0xae: {  	[dreg:$0x0] =	wrdreg $0x60  }
0xaf: {  	[dreg:$0x2] =	wrdreg s2  }
0xb0: {  	[dreg:$0x3] =	wrdreg s24  }
0xb1: {  	[dreg:$0x4] =	wrdreg s18  }
0xb2: {  	[dreg:$0x5] =	wrdreg $0x1700  }
0xb3: {  	[dreg:$0x6] =	wrdreg $0x9  }
0xb4: {  	_ =	task.clear_ibuf [dreg:s8], $0x7FFFF;
	_ =	strace $0x90000046  }
0xb5: {  	s29 =	simm.s32 $0x9;
	_ =	strace $0x80000048  }
0xb6: {  	_ =	swait.ge [sflag:s29], $0x1  }
0xb7: {  	[sflag:s29] =	ssyncadd.s32 $0xFFFFFFFF  }
0xb8: {  	_ =	strace $0x90000048  }
0xb9: {  	_ =	sfence  }
0xba: {  	s30 =	sld [smem:$0x0];
	_ =	sdelay $0x2  }
0xbb: {  	s31 =	sshll.u32 s1, $0xD;
	s1 =	sshrl.u32 s1, $0x2  }
0xbc: {  	s3 =	sand.u32 $0x4000, s31;
	s1 =	sadd.s32 s1, s30  }
0xbd: {  	s0 =	sor.u32 s3, s0;
	s1 =	sshll.u32 s1, $0x11  }
0xbe: {  	s0 =	sor.u32 s1, s0  }
0xbf: {  	s0 =	sadd.s32 $0x8F2B, s0  }
0xc0: {  	[sflag:s0] =	ssyncadd.remote.s32 $0x1  }
0xc1: {  	_ =	sfence.sel $0xFFFF  }
0xc2: {  	[dreg:$0x0] =	wrdreg $0xFFFFFFFF;
	(pc) =	sbr.abs _section_cstart, $3  }
0xc3: {  	[dreg:$0x1] =	wrdreg $0xFFFFFFFF  }
0xc4: {  	_ =	task.clear_ibuf [dreg:s8], $0x2FFFF;
	_ =	strace $0x9FFFFFFF  }
0xc5: {  	(tm) =	ssettm $0x7FFFFFFF  }
tec
execute0_lowered:
.L_overlay_start_1:
0x0: {  	(tag) =	ssettag $0x1  }
0x1: {  	s3 =	rddreg [dreg:$0x0]  }
0x2: {  	s5 =	rddreg [dreg:$0x1];
	s0 =	srdreg.scid  }
0x3: {  	s13 =	rddreg [dreg:$0x2];
	s11 =	stileid.u32;
	s14 =	sand.u32 $0x1, s0  }
0x4: {  	s1 =	rddreg [dreg:$0x3];
	s9 =	sshll.u32 s11, $0x6;
	s4 =	sshll.u32 s14, $0x5  }
0x5: {  	s2 =	simm.s32 $0x0;
	s0 =	rddreg [dreg:$0x4];
	s4 =	sor.u32 s4, s9  }
0x6: {  	[smem:$0x7FF] =	sst s2;
	s6 =	sshrl.u32 s4, $0x3  }
0x7: {  	_ =	strace $0x80000047;
	s4 =	simm.s32 $0x1;
	s3 =	sadd.s32 s3, s6  }
0x8: {  	[tilespmem:s2], [sflag:$0x1] =	stream.linear.gather [hbm4b:s3+s2], $0x20, $0x38;
	[tilespmem:$0x180] =	vst v63  }
0x9: {  	_ =	swait.ge [sflag:s4], $0x20  }
0xa: {  	s5 =	sadd.s32 s5, s6;
	[sflag:s4] =	ssyncset.done $0x0  }
0xb: {  	s7 =	simm.s32 $0x20;
	s6 =	sadd.s32 $0x200, s5;
	[sflag:s4] =	ssyncadd.s32 $0xFFFFFFE0  }
0xc: {  	[tilespmem:s7], [sflag:$0x1] =	stream.linear.gather [hbm4b:s6+s2], $0x20, $0x38;
	[tilespmem:$0x180] =	vst v63  }
0xd: {  	_ =	swait.ge [sflag:s4], $0x20  }
0xe: {  	[sflag:s4] =	ssyncset.done $0x0  }
0xf: {  	s8 =	simm.s32 $0x40;
	[sflag:s4] =	ssyncadd.s32 $0xFFFFFFE0  }
0x10: {  	[tilespmem:s8], [sflag:$0x1] =	stream.linear.gather [hbm4b:s5+s2], $0x20, $0x38;
	[tilespmem:$0x180] =	vst v63  }
0x11: {  	_ =	swait.ge [sflag:s4], $0x20  }
0x12: {  	[sflag:s4] =	ssyncset.done $0x0  }
0x13: {  	[sflag:s4] =	ssyncadd.s32 $0xFFFFFFE0  }
0x14: {  	v0 =	vld [tilespmem:$0x20]  }
0x15: {  	v1 =	vld [tilespmem:$0x40]  }
0x16: {  	v2 =	vld [tilespmem:$0x30]  }
0x17: {  	v3 =	vld [tilespmem:$0x0]  }
0x18: {  	v4 =	vld [tilespmem:$0x50];
	_ =	sdelay $0x1  }
0x19: {  	v0 =	vmul.f32 $1.000020010e-06, v0  }
0x1a: {  	v5 =	vld [tilespmem:$0x10]  }
0x1b: {  	v1 =	vmul.f32 $8.999990220e-01, v1;
	v2 =	vmul.f32 $1.000020010e-06, v2;
	v6 =	vsub.f32 $-1.476373550e+00, v0  }
0x1c: {  	vm0 =	veq.s32 v3, $0x0;
	v3 =	vmul.f32 $8.999990220e-01, v4  }
0x1d: {  	v0 =	vimm.f32 $1.000000000e+00;
	v2 =	vsub.f32 $-1.476373550e+00, v2;
	v1 =	vsub.f32 v6, v1  }
0x1e: {  	v63 =	vsel vm0, $0x0, v0  }
0x1f: {  	vm15 =	veq.s32 v5, $0x0;
	v2 =	vsub.f32 v2, v3;
	v1 =	vmul.f32 v1, v63  }
0x20: {  	v3 =	vsel vm15, $0x0, v0  }
0x21: {  	v2 =	vmul.f32 v2, v3;
	v1 =	vadd.f32 $0.0e+00, v1;
	_ =	sdelay $0x1  }
0x22: {  	v1 =	vadd.f32 v2, v1  }
0x23: {  	s9 =	sshrl.u32 s9, $0x2  }
0x24: {  	s10 =	simm.s32 $0x60;
	s9 =	sadd.s32 s9, s1;
	[tilespmem:$0x60] =	vst v1  }
0x25: {  	[spmem:s9] =	stream.linear.scatter [tilespmem:s10], [sflag:$0x1], $0x10, $0x38;
	[tilespmem:$0x180] =	vst v63  }
0x26: {  	_ =	swait.ge [sflag:s4], $0x10  }
0x27: {  	[sflag:s4] =	ssyncset.done $0x0  }
0x28: {  	p0 =	sne.s32 s11, $0x0;
	[sflag:s4] =	ssyncadd.s32 $0xFFFFFFF0  }
0x29: {  	s12 =	simm.s32 @!p0 $0x70;
	s11 =	simm.s32 @!p0 $0x1;
	[bflag:$0x0] =	sbarrier.arrive $0xFFFF  }
0x2a: {  	[tilespmem:s12], [sflag:$0x1] =	stream.linear.gather @!p0 [spmem:s1], $0x100, $0x38;
	[tilespmem:$0x180] =	vst v63  }
0x2b: {  	_ =	swait.ge @!p0 [sflag:s11], $0x100  }
0x2c: {  	[sflag:s11] =	ssyncset.done @!p0 $0x0  }
0x2d: {  	[sflag:s11] =	ssyncadd.s32 @!p0 $0xFFFFFF00  }
0x2e: {  	v1 =	vld @!p0 [tilespmem:$0x70];
	_ =	sdelay $0x1  }
0x2f: {  	v2 =	vld @!p0 [tilespmem:$0x80];
	_ =	sdelay $0x1  }
0x30: {  	v3 =	vld @!p0 [tilespmem:$0x90]  }
0x31: {  	v1 =	vadd.f32 @!p0 $0.0e+00, v1  }
0x32: {  	v4 =	vld @!p0 [tilespmem:$0xA0]  }
0x33: {  	v1 =	vadd.f32 @!p0 v2, v1  }
0x34: {  	v2 =	vld @!p0 [tilespmem:$0xB0]  }
0x35: {  	v1 =	vadd.f32 @!p0 v3, v1  }
0x36: {  	v3 =	vld @!p0 [tilespmem:$0xC0]  }
0x37: {  	v1 =	vadd.f32 @!p0 v4, v1  }
0x38: {  	v4 =	vld @!p0 [tilespmem:$0xD0]  }
0x39: {  	v1 =	vadd.f32 @!p0 v2, v1  }
0x3a: {  	v2 =	vld @!p0 [tilespmem:$0xE0]  }
0x3b: {  	v1 =	vadd.f32 @!p0 v3, v1  }
0x3c: {  	v3 =	vld @!p0 [tilespmem:$0xF0]  }
0x3d: {  	v1 =	vadd.f32 @!p0 v4, v1  }
0x3e: {  	v4 =	vld @!p0 [tilespmem:$0x100]  }
0x3f: {  	v1 =	vadd.f32 @!p0 v2, v1  }
0x40: {  	v2 =	vld @!p0 [tilespmem:$0x110]  }
0x41: {  	v1 =	vadd.f32 @!p0 v3, v1  }
0x42: {  	v3 =	vld @!p0 [tilespmem:$0x120]  }
0x43: {  	v1 =	vadd.f32 @!p0 v4, v1  }
0x44: {  	v4 =	vld @!p0 [tilespmem:$0x130]  }
0x45: {  	v1 =	vadd.f32 @!p0 v2, v1  }
0x46: {  	v2 =	vld @!p0 [tilespmem:$0x140]  }
0x47: {  	v1 =	vadd.f32 @!p0 v3, v1  }
0x48: {  	v3 =	vld @!p0 [tilespmem:$0x150]  }
0x49: {  	v1 =	vadd.f32 @!p0 v4, v1  }
0x4a: {  	s15 =	ssub.s32 $0x2, s14;
	v4 =	vld @!p0 [tilespmem:$0x160]  }
0x4b: {  	s16 =	sshrl.u32 s15, $0x1;
	v1 =	vadd.f32 @!p0 v2, v1  }
0x4c: {  	s15 =	ssub.s32 s15, s16  }
0x4d: {  	s14 =	sshll.u32 s14, $0x1;
	s31 =	smax.u32 s15, $0x1;
	v1 =	vadd.f32 @!p0 v3, v1  }
0x4e: {  	s13 =	sadd.s32 s13, s14;
	s14 =	sadd.s32 $0xFFFFFFFF, s31  }
0x4f: {  	p1 =	sne.s32 s14, $0x0;
	v1 =	vadd.f32 @!p0 v4, v1  }
.Ltmp0:
0x50: {  	_ = 	snop;
	(pc) =	sbr.rel @!p1 .LBB2_2-.Ltmp0, $4  }
0x51: {  	s16 =	simm.s32 @!p0 $0x60;
	s15 =	simm.s32 @!p0 $0x0;
	[tilespmem:$0x60] =	vst @!p0 v1  }
0x52: {  	[hbm4b:s13+s15] =	stream.linear.scatter @!p0 [tilespmem:s16], [sflag:$0x1], $0x10, $0x38;
	[tilespmem:$0x180] =	vst v63  }
0x53: {  	_ =	swait.ge @!p0 [sflag:s11], $0x10  }
0x54: {  	[sflag:s11] =	ssyncset.done @!p0 $0x0  }
.LBB2_1:
0x55: {  	s14 =	sadd.s32 $0xFFFFFFFF, s14;
	[sflag:s11] =	ssyncadd.s32 @!p0 $0xFFFFFFF0  }
0x56: {  	[tilespmem:s2], [sflag:$0x1] =	stream.linear.gather [hbm4b:s3+s2], $0x20, $0x38;
	[tilespmem:$0x180] =	vst v63  }
0x57: {  	p1 =	sne.s32 s14, $0x0;
	_ =	swait.ge [sflag:s4], $0x20  }
0x58: {  	[sflag:s4] =	ssyncset.done $0x0  }
0x59: {  	[sflag:s4] =	ssyncadd.s32 $0xFFFFFFE0  }
0x5a: {  	[tilespmem:s7], [sflag:$0x1] =	stream.linear.gather [hbm4b:s6+s2], $0x20, $0x38;
	[tilespmem:$0x180] =	vst v63  }
0x5b: {  	_ =	swait.ge [sflag:s4], $0x20  }
0x5c: {  	[sflag:s4] =	ssyncset.done $0x0  }
0x5d: {  	[sflag:s4] =	ssyncadd.s32 $0xFFFFFFE0  }
0x5e: {  	[tilespmem:s8], [sflag:$0x1] =	stream.linear.gather [hbm4b:s5+s2], $0x20, $0x38;
	[tilespmem:$0x180] =	vst v63  }
0x5f: {  	_ =	swait.ge [sflag:s4], $0x20  }
0x60: {  	[sflag:s4] =	ssyncset.done $0x0  }
0x61: {  	[sflag:s4] =	ssyncadd.s32 $0xFFFFFFE0  }
0x62: {  	v1 =	vld [tilespmem:$0x20]  }
0x63: {  	v2 =	vld [tilespmem:$0x40]  }
0x64: {  	v3 =	vld [tilespmem:$0x30]  }
0x65: {  	v4 =	vld [tilespmem:$0x0]  }
0x66: {  	v5 =	vld [tilespmem:$0x50]  }
0x67: {  	v1 =	vmul.f32 $1.000020010e-06, v1;
	v6 =	vld [tilespmem:$0x10];
	_ =	sdelay $0x1  }
0x68: {  	v2 =	vmul.f32 $8.999990220e-01, v2;
	v1 =	vsub.f32 $-1.476373550e+00, v1;
	v3 =	vmul.f32 $1.000020010e-06, v3  }
0x69: {  	vm0 =	veq.s32 v4, $0x0  }
0x6a: {  	v1 =	vsub.f32 v1, v2;
	v2 =	vsub.f32 $-1.476373550e+00, v3;
	v3 =	vmul.f32 $8.999990220e-01, v5  }
0x6b: {  	v4 =	vsel vm0, $0x0, v0;
	vm0 =	veq.s32 v6, $0x0  }
0x6c: {  	v1 =	vmul.f32 v1, v4;
	v2 =	vsub.f32 v2, v3  }
0x6d: {  	v3 =	vsel vm0, $0x0, v0  }
0x6e: {  	v1 =	vadd.f32 $0.0e+00, v1;
	v2 =	vmul.f32 v2, v3;
	_ =	sdelay $0x1  }
0x6f: {  	v1 =	vadd.f32 v2, v1;
	_ =	sdelay $0x1  }
0x70: {  	[tilespmem:$0x60] =	vst v1  }
0x71: {  	[spmem:s9] =	stream.linear.scatter [tilespmem:s10], [sflag:$0x1], $0x10, $0x38;
	[tilespmem:$0x180] =	vst v63  }
0x72: {  	_ =	swait.ge [sflag:s4], $0x10  }
0x73: {  	[sflag:s4] =	ssyncset.done $0x0  }
0x74: {  	[sflag:s4] =	ssyncadd.s32 $0xFFFFFFF0  }
0x75: {  	[bflag:$0x0] =	sbarrier.arrive $0xFFFF  }
0x76: {  	[tilespmem:s12], [sflag:$0x1] =	stream.linear.gather @!p0 [spmem:s1], $0x100, $0x38;
	[tilespmem:$0x180] =	vst v63  }
0x77: {  	_ =	swait.ge @!p0 [sflag:s11], $0x100  }
0x78: {  	[sflag:s11] =	ssyncset.done @!p0 $0x0  }
0x79: {  	[sflag:s11] =	ssyncadd.s32 @!p0 $0xFFFFFF00  }
0x7a: {  	v1 =	vld @!p0 [tilespmem:$0x70];
	_ =	sdelay $0x1  }
0x7b: {  	v2 =	vld @!p0 [tilespmem:$0x80];
	_ =	sdelay $0x1  }
0x7c: {  	v3 =	vld @!p0 [tilespmem:$0x90]  }
0x7d: {  	v1 =	vadd.f32 @!p0 $0.0e+00, v1  }
0x7e: {  	v4 =	vld @!p0 [tilespmem:$0xA0]  }
0x7f: {  	v1 =	vadd.f32 @!p0 v2, v1  }
0x80: {  	v2 =	vld @!p0 [tilespmem:$0xB0]  }
0x81: {  	v1 =	vadd.f32 @!p0 v3, v1  }
0x82: {  	v3 =	vld @!p0 [tilespmem:$0xC0]  }
0x83: {  	v1 =	vadd.f32 @!p0 v4, v1  }
0x84: {  	v4 =	vld @!p0 [tilespmem:$0xD0]  }
0x85: {  	v1 =	vadd.f32 @!p0 v2, v1  }
0x86: {  	v2 =	vld @!p0 [tilespmem:$0xE0]  }
0x87: {  	v1 =	vadd.f32 @!p0 v3, v1  }
0x88: {  	v3 =	vld @!p0 [tilespmem:$0xF0]  }
0x89: {  	v1 =	vadd.f32 @!p0 v4, v1  }
0x8a: {  	v4 =	vld @!p0 [tilespmem:$0x100]  }
0x8b: {  	v1 =	vadd.f32 @!p0 v2, v1  }
0x8c: {  	v2 =	vld @!p0 [tilespmem:$0x110]  }
0x8d: {  	v1 =	vadd.f32 @!p0 v3, v1  }
0x8e: {  	v3 =	vld @!p0 [tilespmem:$0x120]  }
0x8f: {  	v1 =	vadd.f32 @!p0 v4, v1  }
0x90: {  	v4 =	vld @!p0 [tilespmem:$0x130]  }
0x91: {  	v1 =	vadd.f32 @!p0 v2, v1  }
0x92: {  	v2 =	vld @!p0 [tilespmem:$0x140]  }
0x93: {  	v1 =	vadd.f32 @!p0 v3, v1  }
0x94: {  	v3 =	vld @!p0 [tilespmem:$0x150]  }
0x95: {  	v1 =	vadd.f32 @!p0 v4, v1  }
0x96: {  	v4 =	vld @!p0 [tilespmem:$0x160]  }
0x97: {  	v1 =	vadd.f32 @!p0 v2, v1;
	_ =	sdelay $0x1  }
0x98: {  	v1 =	vadd.f32 @!p0 v3, v1;
	_ =	sdelay $0x1  }
0x99: {  	v1 =	vadd.f32 @!p0 v4, v1  }
.Ltmp1:
0x9a: {  	(pc) =	sbr.rel @p1 .LBB2_1-.Ltmp1, $4  }
0x9b: {  	[tilespmem:$0x60] =	vst @!p0 v1  }
0x9c: {  	[hbm4b:s13+s15] =	stream.linear.scatter @!p0 [tilespmem:s16], [sflag:$0x1], $0x10, $0x38;
	[tilespmem:$0x180] =	vst v63  }
0x9d: {  	_ =	swait.ge @!p0 [sflag:s11], $0x10  }
0x9e: {  	[sflag:s11] =	ssyncset.done @!p0 $0x0  }
.LBB2_2:
0x9f: {  	[sflag:s11] =	ssyncadd.s32 @!p0 $0xFFFFFFF0  }
0xa0: {  	_ =	sfence.sel $0x180000  }
0xa1: {  	[bflag:$0x0] =	sbarrier.arrive $0xFFFF  }
0xa2: {  	_ =	strace $0x90000047  }
0xa3: {  	s0 =	sadd.s32 @!p0 $0x100000, s0;
	[bflag:$0x2] =	sbarrier.arrive $0xFFFF  }
0xa4: {  	[sflag:s0] =	ssyncadd.tile.s32 @!p0 $0x1;
	_ =	shalt  }
.Lfunc_end2:
_tile_overlayer_lowered:
.L_overlay_start_2:
0xa5: {  	(tag) =	ssettag $0x2  }
0xa6: {  	s0 =	rddreg [dreg:$0x0];
	s2 =	stileid.u32  }
0xa7: {  	s1 =	rddreg [dreg:$0x1];
	p0 =	sne.s32 s2, $0x0  }
0xa8: {  	s3 =	rddreg [dreg:$0x2];
	[bflag:$0x3] =	sbarrier.arrive $0xFFFF;
	s2 =	simm.s32 @!p0 $0x1C01  }
0xa9: {  	[timem:s3], [sflag:s2] =	dma.local @!p0 [hbm:s0], s1  }
0xaa: {  	s0 =	simm.s32 @!p0 $0x1  }
0xab: {  	_ =	swait.ge @!p0 [sflag:s0], s1  }
0xac: {  	s1 =	ssub.s32 @!p0 $0x0, s1;
	[sflag:s0] =	ssyncset.done @!p0 $0x0  }
0xad: {  	[sflag:s0] =	ssyncadd.s32 @!p0 s1  }
0xae: {  	[bflag:$0x3] =	sbarrier.arrive $0xFFFF  }
0xaf: {  	_ =	shalt  }

</sc_bundles>
